<compile_context>
chip_gen: v7x
topology: tpu7x:2x2x1
jax: 0.10.2.dev20260603
libtpu: 0.0.44.dev20260713+nightly
codegen_flags: <defaults>
</compile_context>

<pallas_src>
import functools

import jax
import jax.numpy as jnp
from jax import lax
from jax.experimental import pallas as pl
from jax.experimental.pallas import tpu as pltpu
from jax.experimental.pallas import tpu_sc as plsc

N = 20000
CONF = 0.5
NC = 1
NS = 16
L = 16
NW = NC * NS
CHUNK = 1248
LAST = N - (NW - 1) * CHUNK
NITER = CHUNK // L
NITER_LAST = LAST // L
BUF = max(CHUNK, LAST)

_mesh = plsc.VectorSubcoreMesh(
    core_axis_name="c", subcore_axis_name="s", num_cores=NC, num_subcores=NS
)


@functools.partial(
    pl.kernel,
    out_type=jax.ShapeDtypeStruct((NW, L), jnp.float32),
    mesh=_mesh,
    compiler_params=pltpu.CompilerParams(
        needs_layout_passes=False,
        skip_device_barrier=True,
    ),
    scratch_types=[
        pltpu.VMEM((BUF,), jnp.float32),
        pltpu.VMEM((BUF,), jnp.float32),
        pltpu.VMEM((L,), jnp.float32),
        pltpu.SemaphoreType.DMA,
    ],
)
def _masked_sum_sc(cls_hbm, eps_hbm, out_hbm, cls_v, eps_v, acc_v, sem):
    wid = lax.axis_index("s") * NC + lax.axis_index("c")
    base = wid * CHUNK
    is_last = wid == NW - 1

    @pl.when(jnp.logical_not(is_last))
    def _():
        c1 = pltpu.async_copy(
            cls_hbm.at[pl.ds(base, CHUNK)], cls_v.at[pl.ds(0, CHUNK)], sem)
        c2 = pltpu.async_copy(
            eps_hbm.at[pl.ds(base, CHUNK)], eps_v.at[pl.ds(0, CHUNK)], sem)
        c1.wait()
        c2.wait()

    @pl.when(is_last)
    def _():
        c1 = pltpu.async_copy(
            cls_hbm.at[pl.ds(base, LAST)], cls_v.at[pl.ds(0, LAST)], sem)
        c2 = pltpu.async_copy(
            eps_hbm.at[pl.ds(base, LAST)], eps_v.at[pl.ds(0, LAST)], sem)
        c1.wait()
        c2.wait()

    lanes = lax.iota(jnp.int32, L)
    my_len = jnp.where(is_last, LAST, CHUNK)

    def body(k, acc):
        off = k * L
        c = cls_v[pl.ds(off, L)]
        s = eps_v[pl.ds(off, L)]
        valid = (off + lanes < my_len) & (c >= CONF)
        return acc + jnp.where(valid, c + s, 0.0)

    acc = lax.fori_loop(0, NITER_LAST, body, jnp.zeros((L,), jnp.float32))
    acc_v[...] = acc
    pltpu.sync_copy(acc_v, out_hbm.at[wid])


def kernel(cls_scores, end_points):
    partials = _masked_sum_sc(cls_scores, end_points.sum(axis=1))
    return jnp.sum(partials)

# --- scband reference (transcript-rebuilt; emitter-appended) ---
"""Pipeline reference for scband-polarrcnn-target-88227218195177 (READ-ONLY COPY).

The authoritative reference and input builder live on the scoring server;
editing this copy changes nothing except your own understanding.
"""

import jax, jax.numpy as jnp
import numpy as np

CONF = 0.5
RATIO = 1.0
OUTPUT_TYPE = 'all'


def setup_inputs(seed: int = 0) -> dict:
    key = jax.random.key(seed)
    k1, k2 = jax.random.split(key)
    cls_scores = jax.random.uniform(k1, (20000,), dtype=jnp.float32)
    end_points = jax.random.normal(k2, (20000, 2), dtype=jnp.float32)
    return {"cls_scores": cls_scores, "end_points": end_points}


def reference(cls_scores, end_points):
    # Faithful translation of the torch forward.
    # data = (cls_scores, end_points)
    cls = cls_scores.reshape(-1)
    N = cls.shape[0]
    topk = max(1, int(N * RATIO))
    # torch.sort(descending=True) -> argsort of negated scores
    order = jnp.argsort(-cls)
    sorted_score = jnp.take(cls, order)
    pos = jnp.arange(N)
    # The Python loop breaks at the first sorted_score[i] < CONF; since scores are
    # sorted descending, the set of included indices is exactly
    # {i : i < topk and sorted_score[i] >= CONF}.
    mask = (pos < topk) & (sorted_score >= CONF)
    contrib = jnp.zeros_like(sorted_score)
    if OUTPUT_TYPE in ('class', 'all'):
        contrib = contrib + sorted_score
    if OUTPUT_TYPE in ('box', 'all'):
        ep = jnp.take(end_points, order, axis=0)
        contrib = contrib + ep[:, 0] + ep[:, 1]
    total = jnp.sum(jnp.where(mask, contrib, jnp.zeros_like(contrib)))
    # If nothing passes the threshold, the torch code returns cls.sum()*0.0 == 0.0,
    # which equals the masked sum (0.0) here, so no special-casing is needed.
    return total

if __name__ == "__main__":
    import jax
    _d = setup_inputs()
    print(jax.jit(kernel)(*tuple(_d.values())))

</pallas_src>

<mosaic_0001>
#map = affine_map<(d0, d1) -> (0)>
#map1 = affine_map<(d0, d1) -> (0, 0)>
module attributes {stable_mosaic.version = 14 : i64} {
  func.func @_masked_sum_sc(%arg0: i32, %arg1: i32, %arg2: memref<20000xf32, #tpu.memory_space<hbm>>, %arg3: memref<20000xf32, #tpu.memory_space<hbm>>, %arg4: memref<16x16xf32, #tpu.memory_space<hbm>>, %arg5: memref<1280xf32, #tpu.memory_space<vmem>>, %arg6: memref<1280xf32, #tpu.memory_space<vmem>>, %arg7: memref<16xf32, #tpu.memory_space<vmem>>, %arg8: memref<!tpu.dma_semaphore, #tpu.memory_space<semaphore_mem>>) attributes {dimension_semantics = [#tpu.dimension_semantics<core_parallel>, #tpu.dimension_semantics<subcore_parallel>], iteration_bounds = array<i64: 1, 16>, scalar_prefetch = 0 : i64, scratch_operands = 4 : i64, tpu.core_type = #tpu.core_type<sc_vector_subcore>, window_params = [{transform_indices = #map}, {transform_indices = #map}, {transform_indices = #map1}]} {
    %mul3A = arith.constant 1 : i32
    %mul3A_0 = arith.muli %arg1, %mul3A : i32
    %add3A = arith.addi %mul3A_0, %arg0 : i32
    %mul3A_1 = arith.constant 1248 : i32
    %mul3A_2 = arith.muli %add3A, %mul3A_1 : i32
    %eq3A = arith.constant 15 : i32
    %eq3A_3 = arith.cmpi eq, %add3A, %eq3A : i32
    %not3A = arith.constant true
    %not3A_4 = arith.xori %eq3A_3, %not3A : i1
    %convert_element_type3A = arith.extui %not3A_4 : i1 to i32
    %cond3A = arith.constant 0 : i32
    %cond3A_5 = arith.cmpi ne, %convert_element_type3A, %cond3A : i32
    scf.if %cond3A_5 {
      %dma_start3A = arith.constant 0 : i32
      %dma_start3A_17 = tpu.memref_slice %arg5[%dma_start3A] : memref<1280xf32, #tpu.memory_space<vmem>> -> memref<1248xf32, #tpu.memory_space<vmem>>
      %dma_start3A_18 = tpu.memref_slice %arg2[%mul3A_2] : memref<20000xf32, #tpu.memory_space<hbm>> -> memref<1248xf32, #tpu.memory_space<hbm>>
      %dma_start3A_19 = arith.constant 0 : i32
      %dma_start3A_20 = tpu.memref_slice %arg5[%dma_start3A_19] : memref<1280xf32, #tpu.memory_space<vmem>> -> memref<1248xf32, #tpu.memory_space<vmem>>
      %dma_start3A_21 = tpu.memref_slice %arg2[%mul3A_2] : memref<20000xf32, #tpu.memory_space<hbm>> -> memref<1248xf32, #tpu.memory_space<hbm>>
      tpu.enqueue_dma source(%dma_start3A_21 : memref<1248xf32, #tpu.memory_space<hbm>>) target(%dma_start3A_20 : memref<1248xf32, #tpu.memory_space<vmem>>) target_semaphore(%arg8 : memref<!tpu.dma_semaphore, #tpu.memory_space<semaphore_mem>>)
      %dma_start3A_22 = arith.constant 0 : i32
      %dma_start3A_23 = tpu.memref_slice %arg6[%dma_start3A_22] : memref<1280xf32, #tpu.memory_space<vmem>> -> memref<1248xf32, #tpu.memory_space<vmem>>
      %dma_start3A_24 = tpu.memref_slice %arg3[%mul3A_2] : memref<20000xf32, #tpu.memory_space<hbm>> -> memref<1248xf32, #tpu.memory_space<hbm>>
      %dma_start3A_25 = arith.constant 0 : i32
      %dma_start3A_26 = tpu.memref_slice %arg6[%dma_start3A_25] : memref<1280xf32, #tpu.memory_space<vmem>> -> memref<1248xf32, #tpu.memory_space<vmem>>
      %dma_start3A_27 = tpu.memref_slice %arg3[%mul3A_2] : memref<20000xf32, #tpu.memory_space<hbm>> -> memref<1248xf32, #tpu.memory_space<hbm>>
      tpu.enqueue_dma source(%dma_start3A_27 : memref<1248xf32, #tpu.memory_space<hbm>>) target(%dma_start3A_26 : memref<1248xf32, #tpu.memory_space<vmem>>) target_semaphore(%arg8 : memref<!tpu.dma_semaphore, #tpu.memory_space<semaphore_mem>>)
      %dma_wait3A = arith.constant 0 : i32
      %dma_wait3A_28 = tpu.memref_slice %arg5[%dma_wait3A] : memref<1280xf32, #tpu.memory_space<vmem>> -> memref<1248xf32, #tpu.memory_space<vmem>>
      %dma_wait3A_29 = tpu.memref_slice %arg2[%mul3A_2] : memref<20000xf32, #tpu.memory_space<hbm>> -> memref<1248xf32, #tpu.memory_space<hbm>>
      %dma_wait3A_30 = arith.constant 0 : i32
      %dma_wait3A_31 = tpu.memref_slice %arg5[%dma_wait3A_30] : memref<1280xf32, #tpu.memory_space<vmem>> -> memref<1248xf32, #tpu.memory_space<vmem>>
      %dma_wait3A_32 = tpu.memref_slice %arg2[%mul3A_2] : memref<20000xf32, #tpu.memory_space<hbm>> -> memref<1248xf32, #tpu.memory_space<hbm>>
      tpu.wait_dma2 semaphore(%arg8 : memref<!tpu.dma_semaphore, #tpu.memory_space<semaphore_mem>>) src(%dma_wait3A_32 : memref<1248xf32, #tpu.memory_space<hbm>>) dst(%dma_wait3A_31 : memref<1248xf32, #tpu.memory_space<vmem>>)
      %dma_wait3A_33 = arith.constant 0 : i32
      %dma_wait3A_34 = tpu.memref_slice %arg6[%dma_wait3A_33] : memref<1280xf32, #tpu.memory_space<vmem>> -> memref<1248xf32, #tpu.memory_space<vmem>>
      %dma_wait3A_35 = tpu.memref_slice %arg3[%mul3A_2] : memref<20000xf32, #tpu.memory_space<hbm>> -> memref<1248xf32, #tpu.memory_space<hbm>>
      %dma_wait3A_36 = arith.constant 0 : i32
      %dma_wait3A_37 = tpu.memref_slice %arg6[%dma_wait3A_36] : memref<1280xf32, #tpu.memory_space<vmem>> -> memref<1248xf32, #tpu.memory_space<vmem>>
      %dma_wait3A_38 = tpu.memref_slice %arg3[%mul3A_2] : memref<20000xf32, #tpu.memory_space<hbm>> -> memref<1248xf32, #tpu.memory_space<hbm>>
      tpu.wait_dma2 semaphore(%arg8 : memref<!tpu.dma_semaphore, #tpu.memory_space<semaphore_mem>>) src(%dma_wait3A_38 : memref<1248xf32, #tpu.memory_space<hbm>>) dst(%dma_wait3A_37 : memref<1248xf32, #tpu.memory_space<vmem>>)
    } else {
    }
    %convert_element_type3A_6 = arith.extui %eq3A_3 : i1 to i32
    %cond3A_7 = arith.constant 0 : i32
    %cond3A_8 = arith.cmpi ne, %convert_element_type3A_6, %cond3A_7 : i32
    scf.if %cond3A_8 {
      %dma_start3A = arith.constant 0 : i32
      %dma_start3A_17 = tpu.memref_slice %arg5[%dma_start3A] : memref<1280xf32, #tpu.memory_space<vmem>> -> memref<1280xf32, #tpu.memory_space<vmem>>
      %dma_start3A_18 = tpu.memref_slice %arg2[%mul3A_2] : memref<20000xf32, #tpu.memory_space<hbm>> -> memref<1280xf32, #tpu.memory_space<hbm>>
      %dma_start3A_19 = arith.constant 0 : i32
      %dma_start3A_20 = tpu.memref_slice %arg5[%dma_start3A_19] : memref<1280xf32, #tpu.memory_space<vmem>> -> memref<1280xf32, #tpu.memory_space<vmem>>
      %dma_start3A_21 = tpu.memref_slice %arg2[%mul3A_2] : memref<20000xf32, #tpu.memory_space<hbm>> -> memref<1280xf32, #tpu.memory_space<hbm>>
      tpu.enqueue_dma source(%dma_start3A_21 : memref<1280xf32, #tpu.memory_space<hbm>>) target(%dma_start3A_20 : memref<1280xf32, #tpu.memory_space<vmem>>) target_semaphore(%arg8 : memref<!tpu.dma_semaphore, #tpu.memory_space<semaphore_mem>>)
      %dma_start3A_22 = arith.constant 0 : i32
      %dma_start3A_23 = tpu.memref_slice %arg6[%dma_start3A_22] : memref<1280xf32, #tpu.memory_space<vmem>> -> memref<1280xf32, #tpu.memory_space<vmem>>
      %dma_start3A_24 = tpu.memref_slice %arg3[%mul3A_2] : memref<20000xf32, #tpu.memory_space<hbm>> -> memref<1280xf32, #tpu.memory_space<hbm>>
      %dma_start3A_25 = arith.constant 0 : i32
      %dma_start3A_26 = tpu.memref_slice %arg6[%dma_start3A_25] : memref<1280xf32, #tpu.memory_space<vmem>> -> memref<1280xf32, #tpu.memory_space<vmem>>
      %dma_start3A_27 = tpu.memref_slice %arg3[%mul3A_2] : memref<20000xf32, #tpu.memory_space<hbm>> -> memref<1280xf32, #tpu.memory_space<hbm>>
      tpu.enqueue_dma source(%dma_start3A_27 : memref<1280xf32, #tpu.memory_space<hbm>>) target(%dma_start3A_26 : memref<1280xf32, #tpu.memory_space<vmem>>) target_semaphore(%arg8 : memref<!tpu.dma_semaphore, #tpu.memory_space<semaphore_mem>>)
      %dma_wait3A = arith.constant 0 : i32
      %dma_wait3A_28 = tpu.memref_slice %arg5[%dma_wait3A] : memref<1280xf32, #tpu.memory_space<vmem>> -> memref<1280xf32, #tpu.memory_space<vmem>>
      %dma_wait3A_29 = tpu.memref_slice %arg2[%mul3A_2] : memref<20000xf32, #tpu.memory_space<hbm>> -> memref<1280xf32, #tpu.memory_space<hbm>>
      %dma_wait3A_30 = arith.constant 0 : i32
      %dma_wait3A_31 = tpu.memref_slice %arg5[%dma_wait3A_30] : memref<1280xf32, #tpu.memory_space<vmem>> -> memref<1280xf32, #tpu.memory_space<vmem>>
      %dma_wait3A_32 = tpu.memref_slice %arg2[%mul3A_2] : memref<20000xf32, #tpu.memory_space<hbm>> -> memref<1280xf32, #tpu.memory_space<hbm>>
      tpu.wait_dma2 semaphore(%arg8 : memref<!tpu.dma_semaphore, #tpu.memory_space<semaphore_mem>>) src(%dma_wait3A_32 : memref<1280xf32, #tpu.memory_space<hbm>>) dst(%dma_wait3A_31 : memref<1280xf32, #tpu.memory_space<vmem>>)
      %dma_wait3A_33 = arith.constant 0 : i32
      %dma_wait3A_34 = tpu.memref_slice %arg6[%dma_wait3A_33] : memref<1280xf32, #tpu.memory_space<vmem>> -> memref<1280xf32, #tpu.memory_space<vmem>>
      %dma_wait3A_35 = tpu.memref_slice %arg3[%mul3A_2] : memref<20000xf32, #tpu.memory_space<hbm>> -> memref<1280xf32, #tpu.memory_space<hbm>>
      %dma_wait3A_36 = arith.constant 0 : i32
      %dma_wait3A_37 = tpu.memref_slice %arg6[%dma_wait3A_36] : memref<1280xf32, #tpu.memory_space<vmem>> -> memref<1280xf32, #tpu.memory_space<vmem>>
      %dma_wait3A_38 = tpu.memref_slice %arg3[%mul3A_2] : memref<20000xf32, #tpu.memory_space<hbm>> -> memref<1280xf32, #tpu.memory_space<hbm>>
      tpu.wait_dma2 semaphore(%arg8 : memref<!tpu.dma_semaphore, #tpu.memory_space<semaphore_mem>>) src(%dma_wait3A_38 : memref<1280xf32, #tpu.memory_space<hbm>>) dst(%dma_wait3A_37 : memref<1280xf32, #tpu.memory_space<vmem>>)
    } else {
    }
    %iota3A = tpu.iota {dimensions = array<i32: 0>} : vector<16xi32>
    %jit3A = arith.constant 1280 : i32
    %jit3A_9 = arith.constant 1248 : i32
    %select_n3A = arith.select %eq3A_3, %jit3A, %jit3A_9 : i32
    %broadcast_in_dim3A = arith.constant 0.000000e+00 : f32
    %broadcast_in_dim3A_10 = vector.broadcast %broadcast_in_dim3A : f32 to vector<16xf32>
    %scan3A = arith.constant 0 : i32
    %scan3A_11 = arith.constant 80 : i32
    %scan3A_12 = arith.addi %scan3A, %scan3A_11 : i32
    %scan3A_13 = arith.constant 1 : i32
    %scan3A_14 = scf.for %scan3A_17 = %scan3A to %scan3A_12 step %scan3A_13 iter_args(%scan3A_18 = %broadcast_in_dim3A_10) -> (vector<16xf32>)  : i32 {
      %mul3A_19 = arith.constant 16 : i32
      %mul3A_20 = arith.muli %scan3A_17, %mul3A_19 : i32
      %get3A = arith.index_cast %mul3A_20 : i32 to index
      %get3A_21 = tpu.vector_load %arg5[%get3A] {strides = array<i32>} : memref<1280xf32, #tpu.memory_space<vmem>>, vector<16xf32>,
      %get3A_22 = arith.index_cast %mul3A_20 : i32 to index
      %get3A_23 = tpu.vector_load %arg6[%get3A_22] {strides = array<i32>} : memref<1280xf32, #tpu.memory_space<vmem>>, vector<16xf32>,
      %add3A_24 = vector.broadcast %mul3A_20 : i32 to vector<16xi32>
      %add3A_25 = arith.addi %add3A_24, %iota3A : vector<16xi32>
      %lt3A = vector.broadcast %select_n3A : i32 to vector<16xi32>
      %lt3A_26 = arith.cmpi slt, %add3A_25, %lt3A : vector<16xi32>
      %ge3A = arith.constant 5.000000e-01 : f32
      %ge3A_27 = vector.broadcast %ge3A : f32 to vector<16xf32>
      %ge3A_28 = arith.cmpf oge, %get3A_21, %ge3A_27 : vector<16xf32>
      %and3A = arith.andi %lt3A_26, %ge3A_28 : vector<16xi1>
      %add3A_29 = arith.addf %get3A_21, %get3A_23 : vector<16xf32>
      %jit3A_30 = arith.constant 0.000000e+00 : f32
      %broadcast_in_dim3A_31 = vector.broadcast %jit3A_30 : f32 to vector<16xf32>
      %select_n3A_32 = arith.select %and3A, %add3A_29, %broadcast_in_dim3A_31 : vector<16xi1>, vector<16xf32>
      %add3A_33 = arith.addf %scan3A_18, %select_n3A_32 : vector<16xf32>
      scf.yield %add3A_33 : vector<16xf32>
    }
    %scan3A_15 = arith.constant 80 : i32
    %swap3A = arith.constant 0 : index
    %swap3A_16 = tpu.vector_load %arg7[%swap3A] {strides = array<i32>} : memref<16xf32, #tpu.memory_space<vmem>>, vector<16xf32>,
    tpu.vector_store %arg7[%swap3A], %scan3A_14 {strides = array<i32>} : memref<16xf32, #tpu.memory_space<vmem>>, vector<16xf32>,
    "tpu.region"() ({
      %run_scoped3A = tpu.sem_alloc : memref<!tpu.dma_semaphore, #tpu.memory_space<semaphore_mem>>
      %dma_start3A = arith.constant 0 : i32
      %dma_start3A_17 = tpu.memref_slice %arg4[%add3A, %dma_start3A] : memref<16x16xf32, #tpu.memory_space<hbm>> -> memref<1x16xf32, #tpu.memory_space<hbm>>
      %dma_start3A_18 = tpu.memref_squeeze %dma_start3A_17 : memref<1x16xf32, #tpu.memory_space<hbm>> -> memref<16xf32, #tpu.memory_space<hbm>>
      %dma_start3A_19 = arith.constant 0 : i32
      %dma_start3A_20 = tpu.memref_slice %arg4[%add3A, %dma_start3A_19] : memref<16x16xf32, #tpu.memory_space<hbm>> -> memref<1x16xf32, #tpu.memory_space<hbm>>
      %dma_start3A_21 = tpu.memref_squeeze %dma_start3A_20 : memref<1x16xf32, #tpu.memory_space<hbm>> -> memref<16xf32, #tpu.memory_space<hbm>>
      tpu.enqueue_dma source(%arg7 : memref<16xf32, #tpu.memory_space<vmem>>) target(%dma_start3A_21 : memref<16xf32, #tpu.memory_space<hbm>>) target_semaphore(%run_scoped3A : memref<!tpu.dma_semaphore, #tpu.memory_space<semaphore_mem>>)
      %dma_wait3A = arith.constant 0 : i32
      %dma_wait3A_22 = tpu.memref_slice %arg4[%add3A, %dma_wait3A] : memref<16x16xf32, #tpu.memory_space<hbm>> -> memref<1x16xf32, #tpu.memory_space<hbm>>
      %dma_wait3A_23 = tpu.memref_squeeze %dma_wait3A_22 : memref<1x16xf32, #tpu.memory_space<hbm>> -> memref<16xf32, #tpu.memory_space<hbm>>
      %dma_wait3A_24 = arith.constant 0 : i32
      %dma_wait3A_25 = tpu.memref_slice %arg4[%add3A, %dma_wait3A_24] : memref<16x16xf32, #tpu.memory_space<hbm>> -> memref<1x16xf32, #tpu.memory_space<hbm>>
      %dma_wait3A_26 = tpu.memref_squeeze %dma_wait3A_25 : memref<1x16xf32, #tpu.memory_space<hbm>> -> memref<16xf32, #tpu.memory_space<hbm>>
      tpu.wait_dma2 semaphore(%run_scoped3A : memref<!tpu.dma_semaphore, #tpu.memory_space<semaphore_mem>>) src(%arg7 : memref<16xf32, #tpu.memory_space<vmem>>) dst(%dma_wait3A_26 : memref<16xf32, #tpu.memory_space<hbm>>)
      tpu.yield
    }) : () -> ()
    return
  }
}

</mosaic_0001>

<sc_bundles>
// kernel: kernel.3.cloned.1.call-start
scs
__scs_entry_jumppad:
0x0: {  	(pc) =	sbr.rel $0x88, $3  }
0x1: {  	(tag) =	ssettag $0x0;
	lr =	simm.s32 $0x1  }
0x2: {  	[smem:$0x3F9F] =	sst lr;
	_ =	strace $0xD0000000  }
0x3: {  	_ = 	snop  }
0x4: {  	_ = 	snop  }
0x5: {  	_ = 	snop  }
0x6: {  	_ = 	snop  }
0x7: {  	_ = 	snop  }
__scs_overlays_trampoline_lowered:
0x8: {  	[smem:$0x3FAE] =	sst s0  }
0x9: {  	[smem:$0x3FAF] =	sst s1  }
0xa: {  	[smem:$0x3FB0] =	sst s2  }
0xb: {  	[smem:$0x3FB1] =	sst s3  }
0xc: {  	[smem:$0x3FB2] =	sst s4  }
0xd: {  	[smem:$0x3FB3] =	sst s5  }
0xe: {  	[smem:$0x3FB4] =	sst s6  }
0xf: {  	[smem:$0x3FB5] =	sst s7  }
0x10: {  	[smem:$0x3FB6] =	sst s8  }
0x11: {  	[smem:$0x3FB7] =	sst s9;
	s0 =	simm.s32 @!p0 $0x0  }
0x12: {  	s1 =	sld [smem:$0x3F9D];
	s0 =	simm.s32 @p0 $0x1  }
0x13: {  	[smem:$0x3FB8] =	sst s0;
	s0 =	simm.s32 @!p1 $0x0  }
0x14: {  	s2 =	sld [smem:$0x3F9C];
	s0 =	simm.s32 @p1 $0x1  }
0x15: {  	[smem:$0x3FB9] =	sst s0;
	s0 =	simm.s32 @!p2 $0x0  }
0x16: {  	s3 =	sld [smem:$0x3FDB];
	s0 =	simm.s32 @p2 $0x1  }
0x17: {  	s4 =	simm.s32 $0x1BF5;
	[smem:$0x3FBB] =	sst s0  }
0x18: {  	s0 =	sld [smem:$0x3F9E];
	_ =	swait.ge [sflag:s4], $0x0  }
0x19: {  	s7 =	sld [smem:$0x3F9F]  }
0x1a: {  	s8 =	sadd.s32 $0xFFFFE003, lr  }
0x1b: {  	s9 =	sadd.s32 $0xFFFFFEF7, lr;
	s5 =	simm.s32 $0xFFFFFFFF;
	p2 =	slt.u32 s8, $0xFFFFF086  }
0x1c: {  	p1 =	slt.u32 s9, $0xF7A;
	s5 =	simm.s32 @!p2 $0x0  }
0x1d: {  	s5 =	simm.s32 @p1 $0x1;
	p0 =	seq.s32 s7, s2  }
0x1e: {  	s7 =	smul.u32 @!p0 $0xF7A, s2;
	p2 =	seq.s32 @!p0 s5, $0x0  }
0x1f: {  	s9 =	smul.u32 $0xF7A, s1;
	s8 =	simm.s32 @!p0 $0x1BF5;
	p2 =	por !p2, p0  }
0x20: {  	[sflag:s8] =	ssyncset.s32 @!p0 $0xFFFFF086;
	s6 =	sadd.s32 @!p0 s3, s7;
	s7 =	simm.s32 @!p0 $0x108  }
0x21: {  	s3 =	sadd.s32 s3, s9;
	s6 =	sadd.s32 @!p0 $0x88, s6;
	s7 =	simm.s32 @p2 $0x1082  }
0x22: {  	[simem:s7], [sflag:s8] =	dma.local @!p0 [hbm:s6], $0xF7A  }
0x23: {  	s9 =	sor.u32 $0xD0000000, s2;
	s6 =	simm.s32 $0x108;
	_ =	swait.ge @!p0 [sflag:s8], $0x0  }
0x24: {  	s3 =	sadd.s32 $0x88, s3;
	s6 =	simm.s32 @!p1 $0x1082;
	[sflag:s4] =	ssyncset.s32 $0xFFFFF086  }
0x25: {  	[simem:s6], [sflag:s4] =	dma.local [hbm:s3], $0xF7A  }
0x26: {  	[smem:$0x3F9F] =	sst s1;
	(tag) =	ssettag s2;
	_ =	strace s9  }
0x27: {  	s1 =	sld [smem:$0x3FAF]  }
0x28: {  	s2 =	sld [smem:$0x3FB0]  }
0x29: {  	s4 =	sld [smem:$0x3FB2]  }
0x2a: {  	p0 =	seq.s32 s5, $0x0;
	s5 =	sld [smem:$0x3FB3]  }
0x2b: {  	s6 =	sld [smem:$0x3FB4]  }
0x2c: {  	s7 =	sld [smem:$0x3FB5]  }
0x2d: {  	s3 =	simm.s32 $0x108;
	s8 =	sld [smem:$0x3FB6]  }
0x2e: {  	s3 =	simm.s32 @!p0 $0x1082;
	s9 =	sld [smem:$0x3FB7]  }
0x2f: {  	lr =	sadd.s32 s0, s3;
	s0 =	sld [smem:$0x3FAE]  }
0x30: {  	s3 =	sld [smem:$0x3FB1]  }
0x31: {  	[smem:$0x3FBA] =	sst s10  }
0x32: {  	s10 =	sld [smem:$0x3FB8];
	_ =	sdelay $0x3  }
0x33: {  	p0 =	seq.s32 s10, $0x1;
	s10 =	sld [smem:$0x3FBA];
	_ =	sdelay $0x3  }
0x34: {  	[smem:$0x3FBA] =	sst s10  }
0x35: {  	s10 =	sld [smem:$0x3FB9];
	_ =	sdelay $0x3  }
0x36: {  	p1 =	seq.s32 s10, $0x1;
	s10 =	sld [smem:$0x3FBA];
	_ =	sdelay $0x3  }
0x37: {  	[smem:$0x3FBA] =	sst s10  }
0x38: {  	s10 =	sld [smem:$0x3FBB]  }
0x39: {  	_ = 	snop;
	(pc) =	sbr.ind lr, $3  }
0x3a: {  	_ = 	snop  }
0x3b: {  	_ = 	snop  }
0x3c: {  	p2 =	seq.s32 s10, $0x1;
	s10 =	sld [smem:$0x3FBA]  }
0x3d: {  	_ =	shalt  }
0x3e: {  	_ =	shalt  }
0x3f: {  	_ =	shalt  }
0x40: {  	_ =	shalt  }
0x41: {  	_ =	shalt  }
0x42: {  	_ =	shalt  }
0x43: {  	_ =	shalt  }
0x44: {  	_ =	shalt  }
0x45: {  	_ =	shalt  }
0x46: {  	_ =	shalt  }
0x47: {  	_ =	shalt  }
0x48: {  	_ =	shalt  }
0x49: {  	_ =	shalt  }
0x4a: {  	_ =	shalt  }
0x4b: {  	_ =	shalt  }
0x4c: {  	_ =	shalt  }
0x4d: {  	_ =	shalt  }
0x4e: {  	_ =	shalt  }
0x4f: {  	_ =	shalt  }
0x50: {  	_ =	shalt  }
0x51: {  	_ =	shalt  }
0x52: {  	_ =	shalt  }
0x53: {  	_ =	shalt  }
0x54: {  	_ =	shalt  }
0x55: {  	_ =	shalt  }
0x56: {  	_ =	shalt  }
0x57: {  	_ =	shalt  }
0x58: {  	_ =	shalt  }
0x59: {  	_ =	shalt  }
0x5a: {  	_ =	shalt  }
0x5b: {  	_ =	shalt  }
0x5c: {  	_ =	shalt  }
0x5d: {  	_ =	shalt  }
0x5e: {  	_ =	shalt  }
0x5f: {  	_ =	shalt  }
0x60: {  	_ =	shalt  }
0x61: {  	_ =	shalt  }
0x62: {  	_ =	shalt  }
0x63: {  	_ =	shalt  }
0x64: {  	_ =	shalt  }
0x65: {  	_ =	shalt  }
0x66: {  	_ =	shalt  }
0x67: {  	_ =	shalt  }
0x68: {  	_ =	shalt  }
0x69: {  	_ =	shalt  }
0x6a: {  	_ =	shalt  }
0x6b: {  	_ =	shalt  }
0x6c: {  	_ =	shalt  }
0x6d: {  	_ =	shalt  }
0x6e: {  	_ =	shalt  }
0x6f: {  	_ =	shalt  }
0x70: {  	_ =	shalt  }
0x71: {  	_ =	shalt  }
0x72: {  	_ =	shalt  }
0x73: {  	_ =	shalt  }
0x74: {  	_ =	shalt  }
0x75: {  	_ =	shalt  }
0x76: {  	_ =	shalt  }
0x77: {  	_ =	shalt  }
0x78: {  	_ =	shalt  }
0x79: {  	_ =	shalt  }
0x7a: {  	_ =	shalt  }
0x7b: {  	_ =	shalt  }
0x7c: {  	_ =	shalt  }
0x7d: {  	_ =	shalt  }
0x7e: {  	_ =	shalt  }
0x7f: {  	_ =	shalt  }
0x80: {  	_ =	shalt  }
0x81: {  	_ =	shalt  }
0x82: {  	_ =	shalt  }
0x83: {  	_ =	shalt  }
0x84: {  	_ =	shalt  }
0x85: {  	_ =	shalt  }
0x86: {  	_ =	shalt  }
0x87: {  	_ =	shalt  }
.Lfunc_end0:
.L_simem_size_0:
called_computation_lowered:
.L_overlay_start_0:
0x88: {  	s0 =	sld [smem:$0x3FD9]  }
0x89: {  	s1 =	sld [smem:$0x3FFE];
	_ =	sdelay $0x3  }
0x8a: {  	s0 =	sadd.s32 s1, s0  }
0x8b: {  	[smem:$0x3FC6] =	sst s0  }
0x8c: {  	_ = 	snop  }
0x8d: {  	s0 =	sld [smem:$0x3FC9];
	(tm) =	ssettm $0x1  }
0x8e: {  	s16 =	sld [smem:$0x3FFB];
	_ =	sdelay $0x3  }
0x8f: {  	_ =	strace s16  }
0x90: {  	s1 =	sld [smem:$0x3FFC];
	_ =	sdelay $0x3  }
0x91: {  	_ =	strace s1  }
0x92: {  	s1 =	sld [smem:$0x3FFD];
	_ =	sdelay $0x3  }
0x93: {  	_ =	strace s1  }
0x94: {  	_ =	strace $0x8FFFFFFF  }
0x95: {  	s17 =	sld [smem:$0x3FDB];
	_ =	sdelay $0x1  }
0x96: {  	s2 =	simm.s32 $_scs_section_size  }
0x97: {  	s3 =	simm.s32 $_size__tile_overlayer_lowered;
	s4 =	simm.s32 $_tile_overlayer_lowered  }
0x98: {  	s20 =	simm.s32 $0x1BFF;
	s19 =	sshll.u32 s4, $0x1;
	s1 =	sadd.s32 s2, s17  }
0x99: {  	s5 =	simm.s32 $0x0;
	s18 =	sshll.u32 s3, $0x1;
	s3 =	sadd.s32 s19, s1  }
0x9a: {  	[timem:s5], [sflag:s20] =	dma.local [hbm:s3], s18  }
0x9b: {  	_ =	swait.ge [sflag:s20], s18  }
0x9c: {  	s2 =	ssub.s32 $0x0, s18;
	[sflag:s20] =	ssyncset.done $0x0  }
0x9d: {  	[sflag:s20] =	ssyncadd.s32 s2;
	_ =	sdelay $0x1  }
0x9e: {  	s21 =	simm.s32 $0x1B8B  }
0x9f: {  	_ =	swait.ge [sflag:s21], $0x1  }
0xa0: {  	[sflag:s21] =	ssyncset.done $0x0  }
0xa1: {  	s23 =	simm.s32 $0x1B8E;
	s22 =	sld [smem:$0x3FFE];
	[sflag:s21] =	ssyncadd.s32 $0xFFFFFFFF  }
0xa2: {  	s24 =	simm.s32 $execute0_lowered;
	[smem:$0x3FD2] =	sst s23  }
0xa3: {  	s3 =	sshll.u32 s24, $0x1;
	_ =	strace $0x80000046;
	[dreg:$0x1] =	wrdreg $0xFFFFFFFF  }
0xa4: {  	s25 =	simm.s32 $_size_execute0_lowered;
	s1 =	sadd.s32 s1, s3;
	[dreg:$0x0] =	wrdreg $0x0  }
0xa5: {  	s3 =	sshll.u32 s25, $0x1;
	[dreg:$0x2] =	wrdreg s1  }
0xa6: {  	[dreg:$0x3] =	wrdreg s3  }
0xa7: {  	[dreg:$0x4] =	wrdreg $0xC0  }
0xa8: {  	_ =	task [dreg:s5], $0x5FFFF  }
0xa9: {  	[dreg:$0x1] =	wrdreg $0xFFFFFFFF  }
0xaa: {  	[dreg:$0x0] =	wrdreg $0x60  }
0xab: {  	[dreg:$0x2] =	wrdreg s0  }
0xac: {  	[dreg:$0x3] =	wrdreg s22  }
0xad: {  	[dreg:$0x4] =	wrdreg $0x9  }
0xae: {  	_ =	task.clear_ibuf [dreg:s5], $0x5FFFF;
	_ =	strace $0x90000046  }
0xaf: {  	s26 =	simm.s32 $0x9;
	_ =	strace $0x80000048  }
0xb0: {  	_ =	swait.ge [sflag:s26], $0x1  }
0xb1: {  	[sflag:s26] =	ssyncadd.s32 $0xFFFFFFFF  }
0xb2: {  	_ =	strace $0x90000048  }
0xb3: {  	_ =	sfence  }
0xb4: {  	s28 =	sld [smem:$0x0];
	_ =	sdelay $0x1  }
0xb5: {  	s29 =	srdreg.scid  }
0xb6: {  	s30 =	sshll.u32 s29, $0xD;
	s31 =	sshrl.u32 s29, $0x2  }
0xb7: {  	s2 =	sand.u32 $0x4000, s30;
	s1 =	sand.u32 $0x1, s29;
	s0 =	sadd.s32 s31, s28  }
0xb8: {  	s1 =	sor.u32 s2, s1;
	s0 =	sshll.u32 s0, $0x11  }
0xb9: {  	s0 =	sor.u32 s0, s1  }
0xba: {  	s0 =	sadd.s32 $0x8F2B, s0  }
0xbb: {  	[sflag:s0] =	ssyncadd.remote.s32 $0x1  }
0xbc: {  	_ =	sfence.sel $0xFFFF  }
0xbd: {  	[dreg:$0x0] =	wrdreg $0xFFFFFFFF;
	(pc) =	sbr.abs _section_cstart, $3  }
0xbe: {  	[dreg:$0x1] =	wrdreg $0xFFFFFFFF  }
0xbf: {  	_ =	task.clear_ibuf [dreg:s5], $0x2FFFF;
	_ =	strace $0x9FFFFFFF  }
0xc0: {  	(tm) =	ssettm $0x7FFFFFFF  }
0xc1: {  	_ =	shalt  }
tec
execute0_lowered:
.L_overlay_start_1:
0x0: {  	(tag) =	ssettag $0x1  }
0x1: {  	s2 =	rddreg [dreg:$0x0]  }
0x2: {  	s3 =	rddreg [dreg:$0x1]  }
0x3: {  	s0 =	rddreg [dreg:$0x2];
	s5 =	simm.s32 $0x0;
	s1 =	stileid.u32  }
0x4: {  	[smem:$0x7FF] =	sst s5;
	p0 =	seq.s32 s1, $0xF  }
0x5: {  	_ =	strace $0x80000047;
	s4 =	sadd.s32 @p0 $0x924, s2;
	s6 =	simm.s32 @p0 $0x0  }
0x6: {  	[tilespmem:s6], [sflag:$0x1] =	stream.linear.gather @p0 [hbm4b:s4+s6], $0x500, $0x38;
	[tilespmem:$0xA80] =	vst v63  }
0x7: {  	s7 =	simm.s32 @p0 $0x500;
	s4 =	sadd.s32 @p0 $0x924, s3  }
0x8: {  	[tilespmem:s7], [sflag:$0x1] =	stream.linear.gather @p0 [hbm4b:s4+s6], $0x500, $0x38;
	[tilespmem:$0xA80] =	vst v63  }
0x9: {  	s4 =	simm.s32 @p0 $0x1  }
0xa: {  	_ =	swait.ge @p0 [sflag:s4], $0x500  }
0xb: {  	[sflag:s4] =	ssyncset.done @p0 $0x0  }
0xc: {  	[sflag:s4] =	ssyncadd.s32 @p0 $0xFFFFFB00  }
0xd: {  	s6 =	smul.u32 @!p0 $0x9C, s1;
	_ =	swait.ge @p0 [sflag:s4], $0x500  }
0xe: {  	[sflag:s4] =	ssyncset.done @p0 $0x0  }
0xf: {  	s2 =	sadd.s32 @!p0 s2, s6;
	[sflag:s4] =	ssyncadd.s32 @p0 $0xFFFFFB00;
	s4 =	simm.s32 @!p0 $0x0  }
0x10: {  	[tilespmem:s4], [sflag:$0x1] =	stream.linear.gather @!p0 [hbm4b:s2+s4], $0x4E0, $0x38;
	[tilespmem:$0xA80] =	vst v63  }
0x11: {  	s2 =	sadd.s32 @!p0 s3, s6;
	s6 =	simm.s32 @!p0 $0x500  }
0x12: {  	[tilespmem:s6], [sflag:$0x1] =	stream.linear.gather @!p0 [hbm4b:s2+s4], $0x4E0, $0x38;
	[tilespmem:$0xA80] =	vst v63  }
0x13: {  	s2 =	simm.s32 @!p0 $0x1  }
0x14: {  	_ =	swait.ge @!p0 [sflag:s2], $0x4E0  }
0x15: {  	[sflag:s2] =	ssyncset.done @!p0 $0x0  }
0x16: {  	[sflag:s2] =	ssyncadd.s32 @!p0 $0xFFFFFB20  }
0x17: {  	_ =	swait.ge @!p0 [sflag:s2], $0x4E0  }
0x18: {  	[sflag:s2] =	ssyncset.done @!p0 $0x0  }
0x19: {  	s30 =	sshll.u32 s1, $0x4;
	[sflag:s2] =	ssyncadd.s32 @!p0 $0xFFFFFB20  }
0x1a: {  	s31 =	sadd.s32 s30, s3;
	s3 =	simm.s32 $0x500;
	v1 =	vld [tilespmem:s5+$0x0]  }
0x1b: {  	v3 =	vld [tilespmem:s3+$0x0]  }
0x1c: {  	v0 =	vlaneseq.u32  }
0x1d: {  	v0 =	vmul.u32 $0xFFFFFFFF, v0;
	s6 =	simm.s32 @!p0 $0x4E0  }
0x1e: {  	s6 =	simm.s32 @p0 $0x500  }
0x1f: {  	v4 =	vmov s5;
	s4 =	simm.s32 $0x10;
	v2 =	vadd.s32 s6, v0;
	v0 =	vimm.f32 $0.0e+00;
	s2 =	sadd.s32 $0xA00, s31;
	s5 =	simm.s32 $0x10  }
.LBB2_1:
0x20: {  	vm0 =	vlt.u32 v4, v2;
	vm1 =	vge.f32 v1, $5.000000000e-01;
	v4 =	vadd.f32 v3, v1;
	v1 =	vld [tilespmem:s5+$0x0];
	s3 =	sadd.s32 $0x10, s3;
	s6 =	smov.u32 s4;
	p0 =	sne.s32 s4, $0x4F0  }
.Ltmp0:
0x21: {  	s4 =	sadd.s32 $0x10, s4;
	v3 =	vld [tilespmem:s3+$0x0];
	vm0 =	vmand vm0, vm1;
	(pc) =	sbr.rel @p0 .LBB2_1-.Ltmp0, $3  }
0x22: {  	v4 =	vnsel vm0, $0x0, v4  }
0x23: {  	v0 =	vadd.f32 v4, v0;
	_ =	sdelay $0x1  }
0x24: {  	s5 =	sadd.s32 $0x10, s5;
	v4 =	vmov s6  }
0x25: {  	vm0 =	vlt.u32 v4, v2;
	vm1 =	vge.f32 v1, $5.000000000e-01;
	v63 =	vadd.f32 v3, v1  }
0x26: {  	vm0 =	vmand vm0, vm1  }
0x27: {  	v1 =	vnsel vm0, $0x0, v63  }
0x28: {  	v0 =	vadd.f32 v1, v0;
	_ =	sdelay $0x1  }
0x29: {  	s3 =	simm.s32 $0x0;
	s4 =	simm.s32 $0xA00;
	s31 =	simm.s32 $0x2;
	[tilespmem:$0xA00] =	vst v0  }
0x2a: {  	[hbm4b:s2+s3] =	stream.linear.scatter [tilespmem:s4], [sflag:$0x2], $0x80, $0x38;
	[tilespmem:$0xA80] =	vst v63  }
0x2b: {  	_ =	swait.ge [sflag:s31], $0x80  }
0x2c: {  	[sflag:s31] =	ssyncset.done $0x0  }
0x2d: {  	[sflag:s31] =	ssyncadd.s32 $0xFFFFFF80  }
0x2e: {  	_ =	sfence.sel $0x180000  }
0x2f: {  	[bflag:$0x0] =	sbarrier.arrive $0xFFFF  }
0x30: {  	p0 =	sne.s32 s1, $0x0;
	_ =	strace $0x90000047  }
0x31: {  	s0 =	sadd.s32 @!p0 $0x100000, s0;
	[bflag:$0x2] =	sbarrier.arrive $0xFFFF  }
0x32: {  	[sflag:s0] =	ssyncadd.tile.s32 @!p0 $0x1;
	_ =	shalt  }
.Lfunc_end2:
_tile_overlayer_lowered:
.L_overlay_start_2:
0x33: {  	(tag) =	ssettag $0x2  }
0x34: {  	s0 =	rddreg [dreg:$0x0];
	s2 =	stileid.u32  }
0x35: {  	s1 =	rddreg [dreg:$0x1];
	p0 =	sne.s32 s2, $0x0  }
0x36: {  	s3 =	rddreg [dreg:$0x2];
	[bflag:$0x3] =	sbarrier.arrive $0xFFFF;
	s2 =	simm.s32 @!p0 $0x1C02  }
0x37: {  	[timem:s3], [sflag:s2] =	dma.local @!p0 [hbm:s0], s1  }
0x38: {  	s0 =	simm.s32 @!p0 $0x2  }
0x39: {  	_ =	swait.ge @!p0 [sflag:s0], s1  }
0x3a: {  	s1 =	ssub.s32 @!p0 $0x0, s1;
	[sflag:s0] =	ssyncset.done @!p0 $0x0  }
0x3b: {  	[sflag:s0] =	ssyncadd.s32 @!p0 s1  }
0x3c: {  	[bflag:$0x3] =	sbarrier.arrive $0xFFFF  }
0x3d: {  	_ =	shalt  }

</sc_bundles>
